<compile_context>
chip_gen: v7x
topology: tpu7x:2x2x1
jax: 0.10.2.dev20260603
libtpu: 0.0.44.dev20260713+nightly
codegen_flags: <defaults>
</compile_context>

<pallas_src>
import functools

import jax
import jax.numpy as jnp
from jax import lax
from jax.experimental import pallas as pl
from jax.experimental.pallas import tpu as pltpu
from jax.experimental.pallas import tpu_sc as plsc

_K = 1000
_KP = 1024
_D = 2048
_DH = _D // 2
_ALPHA = 10.0
_TOPM = 20

_B = 16384
_NTILES = 16
_ROWS_PER_TILE = _B // _NTILES
_CH = 32
_NCH = _ROWS_PER_TILE // _CH


@functools.partial(
    pl.kernel,
    mesh=plsc.VectorSubcoreMesh(core_axis_name="c", subcore_axis_name="s"),
    out_type=jax.ShapeDtypeStruct((_KP, 2, _DH), jnp.float32),
    scratch_types=[
        pltpu.VMEM((_CH, _CH), jnp.int32),
        pltpu.VMEM((_CH, 1, _DH), jnp.float32),
        pltpu.VMEM_SHARED((_KP, 1, _DH), jnp.float32),
        pltpu.SemaphoreType.DMA,
    ],
)
def _sc_segsum(y2_hbm, feats3_hbm, zeros_hbm, out_hbm, lab_v, stage_v,
               acc_sh, sem):
    cid = lax.axis_index("c")
    sid = lax.axis_index("s")

    @pl.when(sid == 0)
    def _zero():
        pltpu.sync_copy(zeros_hbm, acc_sh)

    plsc.subcore_barrier()

    base = sid * _ROWS_PER_TILE
    pltpu.sync_copy(
        y2_hbm.at[pl.ds(pl.multiple_of(base // _CH, _CH), _CH)], lab_v)

    def chunk(j, carry):
        row0 = pl.multiple_of(base + j * _CH, _CH)
        pltpu.async_copy(
            feats3_hbm.at[pl.ds(row0, _CH), pl.ds(cid, 1)], stage_v, sem
        ).wait()
        pltpu.sync_copy(stage_v, acc_sh.at[lab_v.at[j]], add=True)
        return carry

    lax.fori_loop(0, _NCH, chunk, jnp.int32(0))

    plsc.subcore_barrier()

    @pl.when(sid == 0)
    def _writeback():
        pltpu.sync_copy(acc_sh, out_hbm.at[:, pl.ds(cid, 1)])


def _loss_body(sums_ref, conf_ref, out_ref, key_ref):
    s = sums_ref[...]
    n2 = jnp.sum(s * s, axis=1, keepdims=True)
    inv = jnp.where(n2 > 0.0, jax.lax.rsqrt(jnp.maximum(n2, 1e-30)), 0.0)
    sn = (s * inv).astype(jnp.bfloat16)
    g = jax.lax.dot_general(
        sn, sn, (((1,), (1,)), ((), ())),
        preferred_element_type=jnp.float32)

    row_i = jax.lax.broadcasted_iota(jnp.int32, (_KP, _KP), 0)
    col_i = jax.lax.broadcasted_iota(jnp.int32, (_KP, _KP), 1)
    eye = row_i == col_i
    gd = jnp.where(eye, g, 0.0)
    zr = jnp.sum(gd, axis=1, keepdims=True)
    zc = jnp.sum(gd, axis=0, keepdims=True)
    d2 = zr + zc - 2.0 * g

    pr = (zr > 0.5).astype(jnp.float32)
    pc = (zc > 0.5).astype(jnp.float32)
    csize = jnp.sum(pr)
    ppair = pr * pc

    cm = conf_ref[...]
    omega = 0.5 * (cm + cm.T)
    omega = jnp.where(eye, 0.0, omega)

    pairmask = ppair * (row_i > col_i).astype(jnp.float32)
    contrib = pairmask * omega * jnp.exp(-_ALPHA * d2)
    num_all = jnp.sum(contrib)

    scores = jnp.where(ppair > 0.5, omega, -1.0)
    si = jnp.round(jnp.maximum(scores, 0.0) * 16777216.0).astype(jnp.int32)
    si = jnp.where(scores < 0.0, jnp.int32(-1), si)
    key_ref[...] = si * 1024 + (1023 - row_i)

    taken = jnp.int32(-(2 ** 31 - 1))

    def tk_body(_, carry):
        k = key_ref[...]
        mx = jnp.max(k, axis=0, keepdims=True)
        key_ref[...] = jnp.where(k == mx, taken, k)
        return carry

    jax.lax.fori_loop(0, _TOPM, tk_body, jnp.int32(0))
    mskf = (key_ref[...] == taken).astype(jnp.float32)
    num_tk = jnp.sum(mskf * contrib)
    den_tk = jnp.sum(mskf * pairmask)

    loss_all = num_all / jnp.maximum(csize * (csize - 1.0) * 0.5, 1.0)
    loss_tk = num_tk / jnp.maximum(den_tk, 1.0)
    loss = jnp.where(csize < 1.5, 0.0,
                     jnp.where(csize <= float(_TOPM + 1) + 0.5,
                               loss_all, loss_tk))
    out_ref[...] = jnp.broadcast_to(loss, (1, 1))


@jax.jit
def kernel(feats, y, conf):
    y2 = y.astype(jnp.int32).reshape(_B // _CH, _CH)
    feats3 = feats.reshape(_B, 2, _DH)
    zeros = jnp.zeros((_KP, 1, _DH), jnp.float32)
    conf_p = jnp.pad(conf, ((0, _KP - _K), (0, _KP - _K)))

    sums3 = _sc_segsum(y2, feats3, zeros)
    sums = sums3.reshape(_KP, _D)

    out = pl.pallas_call(
        _loss_body,
        out_shape=jax.ShapeDtypeStruct((1, 1), jnp.float32),
        scratch_shapes=[
            pltpu.VMEM((_KP, _KP), jnp.int32),
        ],
    )(sums, conf_p)
    return out[0, 0]

# --- scband reference (transcript-rebuilt; emitter-appended) ---
"""Pipeline reference for scband-carrot-state-38285338476912 (READ-ONLY COPY).

The authoritative reference and input builder live on the scoring server;
editing this copy changes nothing except your own understanding.
"""

import jax, jax.numpy as jnp
import numpy as np

K = 1000
D = 2048
B = 16384
ALPHA = 10.0
TOPM = 20


def setup_inputs(seed: int = 0) -> dict:
    key = jax.random.key(seed)
    k1, k2, k3 = jax.random.split(key, 3)
    feats = jax.random.normal(k1, (B, D), dtype=jnp.float32)
    y = jax.random.randint(k2, (B,), 0, K)
    # EMA soft-confusion buffer (module state); randomized so the loss is nontrivial
    conf = jax.random.uniform(k3, (K, K), dtype=jnp.float32) * 0.1
    return {"feats": feats, "y": y, "conf": conf}


def _fill_diag_zero(m):
    n = m.shape[0]
    return m.at[jnp.arange(n), jnp.arange(n)].set(0.0)


def reference(feats, y, conf):
    # carrot_loss_from_batch(feats, y) with defaults alpha=10.0, topm=20, use_mahalanobis=False
    Kc = conf.shape[0]
    classes, inv = jnp.unique(y, return_inverse=True, size=Kc, fill_value=-1)
    C = jnp.sum(classes >= 0)
    d = feats.shape[1]
    sums = jnp.zeros((Kc, d), feats.dtype).at[inv].add(feats)
    cnts = jnp.zeros((Kc,), feats.dtype).at[inv].add(1.0)
    cnts = jnp.clip(cnts, 1.0)
    proto = sums / cnts[:, None]
    proto = proto / jnp.clip(jnp.linalg.norm(proto, axis=-1, keepdims=True), 1e-12)
    # omega from EMA conf
    omega = _fill_diag_zero(0.5 * (conf + conf.T))
    omega_sub = _fill_diag_zero(omega[classes][:, classes])

    def _loss_all():
        m = TOPM + 1
        ii, jj = jnp.triu_indices(m, k=1)
        ii = jnp.asarray(ii)
        jj = jnp.asarray(jj)
        msk = (jj < C).astype(feats.dtype)
        diff = proto[ii] - proto[jj]
        d2 = jnp.sum(diff * diff, axis=-1)
        w = omega_sub[ii, jj]
        num = jnp.sum(w * jnp.exp(-ALPHA * d2) * msk)
        den = jnp.maximum(jnp.sum(msk), 1.0)
        return num / den

    def _loss_topk():
        pos = jnp.arange(Kc)
        valid = pos < C
        scores = jnp.where(valid[:, None] & valid[None, :], omega_sub, -1.0)
        _, idx = jax.lax.top_k(scores, TOPM)
        rows = jnp.broadcast_to(pos[:, None], idx.shape)
        msk = ((rows < idx) & (idx < C)).astype(feats.dtype)
        diff = proto[rows] - proto[idx]
        d2 = jnp.sum(diff * diff, axis=-1)
        w = omega_sub[rows, idx]
        num = jnp.sum(w * jnp.exp(-ALPHA * d2) * msk)
        den = jnp.maximum(jnp.sum(msk), 1.0)
        return num / den

    def _nontrivial():
        return jax.lax.cond(C <= TOPM + 1, _loss_all, _loss_topk)

    return jax.lax.cond(C < 2, lambda: jnp.zeros((), feats.dtype), _nontrivial)

if __name__ == "__main__":
    import jax
    _d = setup_inputs()
    print(jax.jit(kernel)(*tuple(_d.values())))

</pallas_src>

<mosaic_0001>
#map = affine_map<(d0, d1) -> (0, 0)>
#map1 = affine_map<(d0, d1) -> (0, 0, 0)>
module attributes {stable_mosaic.version = 14 : i64} {
  func.func @_sc_segsum(%arg0: i32, %arg1: i32, %arg2: memref<512x32xi32, #tpu.memory_space<hbm>>, %arg3: memref<16384x2x1024xf32, #tpu.memory_space<hbm>>, %arg4: memref<1024x1x1024xf32, #tpu.memory_space<hbm>>, %arg5: memref<1024x2x1024xf32, #tpu.memory_space<hbm>>, %arg6: memref<32x32xi32, #tpu.memory_space<vmem>>, %arg7: memref<32x1x1024xf32, #tpu.memory_space<vmem>>, %arg8: memref<1024x1x1024xf32, #tpu.memory_space<vmem_shared>>, %arg9: memref<!tpu.dma_semaphore, #tpu.memory_space<semaphore_mem>>) attributes {dimension_semantics = [#tpu.dimension_semantics<core_parallel>, #tpu.dimension_semantics<subcore_parallel>], iteration_bounds = array<i64: 2, 16>, scalar_prefetch = 0 : i64, scratch_operands = 4 : i64, tpu.core_type = #tpu.core_type<sc_vector_subcore>, window_params = [{transform_indices = #map}, {transform_indices = #map1}, {transform_indices = #map1}, {transform_indices = #map1}]} {
    %eq3A = arith.constant 0 : i32
    %eq3A_0 = arith.cmpi eq, %arg1, %eq3A : i32
    %convert_element_type3A = arith.extui %eq3A_0 : i1 to i32
    %cond3A = arith.constant 0 : i32
    %cond3A_1 = arith.cmpi ne, %convert_element_type3A, %cond3A : i32
    scf.if %cond3A_1 {
      "tpu.region"() ({
        %run_scoped3A = tpu.sem_alloc : memref<!tpu.dma_semaphore, #tpu.memory_space<semaphore_mem>>
        tpu.enqueue_dma source(%arg4 : memref<1024x1x1024xf32, #tpu.memory_space<hbm>>) target(%arg8 : memref<1024x1x1024xf32, #tpu.memory_space<vmem_shared>>) target_semaphore(%run_scoped3A : memref<!tpu.dma_semaphore, #tpu.memory_space<semaphore_mem>>)
        tpu.wait_dma2 semaphore(%run_scoped3A : memref<!tpu.dma_semaphore, #tpu.memory_space<semaphore_mem>>) src(%arg4 : memref<1024x1x1024xf32, #tpu.memory_space<hbm>>) dst(%arg8 : memref<1024x1x1024xf32, #tpu.memory_space<vmem_shared>>)
        tpu.yield
      }) : () -> ()
    } else {
    }
    %barrier3A = arith.constant 0 : index
    tpu.barrier barrier_id(%barrier3A)
    %mul3A = arith.constant 1024 : i32
    %mul3A_2 = arith.muli %arg1, %mul3A : i32
    %jit3A = arith.constant 32 : i32
    %div3A = arith.divsi %mul3A_2, %jit3A : i32
    %sign3A = arith.constant 0 : i32
    %sign3A_3 = arith.cmpi sgt, %mul3A_2, %sign3A : i32
    %sign3A_4 = arith.extui %sign3A_3 : i1 to i32
    %sign3A_5 = arith.constant 0 : i32
    %sign3A_6 = arith.cmpi slt, %mul3A_2, %sign3A_5 : i32
    %sign3A_7 = arith.extui %sign3A_6 : i1 to i32
    %sign3A_8 = arith.subi %sign3A_4, %sign3A_7 : i32
    %sign3A_9 = arith.constant 0 : i32
    %sign3A_10 = arith.cmpi sgt, %jit3A, %sign3A_9 : i32
    %sign3A_11 = arith.extui %sign3A_10 : i1 to i32
    %sign3A_12 = arith.constant 0 : i32
    %sign3A_13 = arith.cmpi slt, %jit3A, %sign3A_12 : i32
    %sign3A_14 = arith.extui %sign3A_13 : i1 to i32
    %sign3A_15 = arith.subi %sign3A_11, %sign3A_14 : i32
    %ne3A = arith.cmpi ne, %sign3A_8, %sign3A_15 : i32
    %rem3A = arith.remsi %mul3A_2, %jit3A : i32
    %ne3A_16 = arith.constant 0 : i32
    %ne3A_17 = arith.cmpi ne, %rem3A, %ne3A_16 : i32
    %and3A = arith.andi %ne3A, %ne3A_17 : i1
    %sub3A = arith.constant 1 : i32
    %sub3A_18 = arith.subi %div3A, %sub3A : i32
    %select_n3A = arith.select %and3A, %sub3A_18, %div3A : i32
    %multiple_of3A = tpu.assume_multiple %select_n3A, 32 : i32
    "tpu.region"() ({
      %run_scoped3A = tpu.sem_alloc : memref<!tpu.dma_semaphore, #tpu.memory_space<semaphore_mem>>
      %dma_start3A = arith.constant 0 : i32
      %dma_start3A_30 = tpu.memref_slice %arg2[%multiple_of3A, %dma_start3A] : memref<512x32xi32, #tpu.memory_space<hbm>> -> memref<32x32xi32, #tpu.memory_space<hbm>>
      %dma_start3A_31 = arith.constant 0 : i32
      %dma_start3A_32 = tpu.memref_slice %arg2[%multiple_of3A, %dma_start3A_31] : memref<512x32xi32, #tpu.memory_space<hbm>> -> memref<32x32xi32, #tpu.memory_space<hbm>>
      tpu.enqueue_dma source(%dma_start3A_32 : memref<32x32xi32, #tpu.memory_space<hbm>>) target(%arg6 : memref<32x32xi32, #tpu.memory_space<vmem>>) target_semaphore(%run_scoped3A : memref<!tpu.dma_semaphore, #tpu.memory_space<semaphore_mem>>)
      %dma_wait3A = arith.constant 0 : i32
      %dma_wait3A_33 = tpu.memref_slice %arg2[%multiple_of3A, %dma_wait3A] : memref<512x32xi32, #tpu.memory_space<hbm>> -> memref<32x32xi32, #tpu.memory_space<hbm>>
      %dma_wait3A_34 = arith.constant 0 : i32
      %dma_wait3A_35 = tpu.memref_slice %arg2[%multiple_of3A, %dma_wait3A_34] : memref<512x32xi32, #tpu.memory_space<hbm>> -> memref<32x32xi32, #tpu.memory_space<hbm>>
      tpu.wait_dma2 semaphore(%run_scoped3A : memref<!tpu.dma_semaphore, #tpu.memory_space<semaphore_mem>>) src(%dma_wait3A_35 : memref<32x32xi32, #tpu.memory_space<hbm>>) dst(%arg6 : memref<32x32xi32, #tpu.memory_space<vmem>>)
      tpu.yield
    }) : () -> ()
    %scan3A = arith.constant 0 : i32
    %scan3A_19 = arith.constant 0 : i32
    %scan3A_20 = arith.constant 32 : i32
    %scan3A_21 = arith.addi %scan3A_19, %scan3A_20 : i32
    %scan3A_22 = arith.constant 1 : i32
    scf.for %scan3A_30 = %scan3A_19 to %scan3A_21 step %scan3A_22  : i32 {
      %mul3A_31 = arith.constant 32 : i32
      %mul3A_32 = arith.muli %scan3A_30, %mul3A_31 : i32
      %add3A = arith.addi %mul3A_2, %mul3A_32 : i32
      %multiple_of3A_33 = tpu.assume_multiple %add3A, 32 : i32
      %dma_start3A = arith.constant 0 : i32
      %dma_start3A_34 = tpu.memref_slice %arg3[%multiple_of3A_33, %arg0, %dma_start3A] : memref<16384x2x1024xf32, #tpu.memory_space<hbm>> -> memref<32x1x1024xf32, #tpu.memory_space<hbm>>
      %dma_start3A_35 = arith.constant 0 : i32
      %dma_start3A_36 = tpu.memref_slice %arg3[%multiple_of3A_33, %arg0, %dma_start3A_35] : memref<16384x2x1024xf32, #tpu.memory_space<hbm>> -> memref<32x1x1024xf32, #tpu.memory_space<hbm>>
      tpu.enqueue_dma source(%dma_start3A_36 : memref<32x1x1024xf32, #tpu.memory_space<hbm>>) target(%arg7 : memref<32x1x1024xf32, #tpu.memory_space<vmem>>) target_semaphore(%arg9 : memref<!tpu.dma_semaphore, #tpu.memory_space<semaphore_mem>>)
      %dma_wait3A = arith.constant 0 : i32
      %dma_wait3A_37 = tpu.memref_slice %arg3[%multiple_of3A_33, %arg0, %dma_wait3A] : memref<16384x2x1024xf32, #tpu.memory_space<hbm>> -> memref<32x1x1024xf32, #tpu.memory_space<hbm>>
      %dma_wait3A_38 = arith.constant 0 : i32
      %dma_wait3A_39 = tpu.memref_slice %arg3[%multiple_of3A_33, %arg0, %dma_wait3A_38] : memref<16384x2x1024xf32, #tpu.memory_space<hbm>> -> memref<32x1x1024xf32, #tpu.memory_space<hbm>>
      tpu.wait_dma2 semaphore(%arg9 : memref<!tpu.dma_semaphore, #tpu.memory_space<semaphore_mem>>) src(%dma_wait3A_39 : memref<32x1x1024xf32, #tpu.memory_space<hbm>>) dst(%arg7 : memref<32x1x1024xf32, #tpu.memory_space<vmem>>)
      "tpu.region"() ({
        %run_scoped3A = tpu.sem_alloc : memref<!tpu.dma_semaphore, #tpu.memory_space<semaphore_mem>>
        %dma_start3A_40 = arith.constant 0 : i32
        %dma_start3A_41 = tpu.memref_slice %arg6[%scan3A_30, %dma_start3A_40] : memref<32x32xi32, #tpu.memory_space<vmem>> -> memref<1x32xi32, #tpu.memory_space<vmem>>
        %dma_start3A_42 = tpu.memref_squeeze %dma_start3A_41 : memref<1x32xi32, #tpu.memory_space<vmem>> -> memref<32xi32, #tpu.memory_space<vmem>>
        %dma_start3A_43 = arith.constant 0 : i32
        %dma_start3A_44 = arith.constant 0 : i32
        %dma_start3A_45 = arith.constant 0 : i32
        %dma_start3A_46 = tpu.memref_slice %arg8[%dma_start3A_43, %dma_start3A_44, %dma_start3A_45] : memref<1024x1x1024xf32, #tpu.memory_space<vmem_shared>> -> memref<1024x1x1024xf32, #tpu.memory_space<vmem_shared>>
        tpu.enqueue_indirect_dma source(%arg7 : memref<32x1x1024xf32, #tpu.memory_space<vmem>>) target(%dma_start3A_46 : memref<1024x1x1024xf32, #tpu.memory_space<vmem_shared>>) offsets(%dma_start3A_42 : memref<32xi32, #tpu.memory_space<vmem>>) semaphore(%run_scoped3A : memref<!tpu.dma_semaphore, #tpu.memory_space<semaphore_mem>>) {add = true}
        %dma_wait3A_47 = arith.constant 0 : i32
        %dma_wait3A_48 = tpu.memref_slice %arg6[%scan3A_30, %dma_wait3A_47] : memref<32x32xi32, #tpu.memory_space<vmem>> -> memref<1x32xi32, #tpu.memory_space<vmem>>
        %dma_wait3A_49 = tpu.memref_squeeze %dma_wait3A_48 : memref<1x32xi32, #tpu.memory_space<vmem>> -> memref<32xi32, #tpu.memory_space<vmem>>
        %dma_wait3A_50 = arith.constant 0 : i32
        %dma_wait3A_51 = arith.constant 0 : i32
        %dma_wait3A_52 = arith.constant 0 : i32
        %dma_wait3A_53 = tpu.memref_slice %arg8[%dma_wait3A_50, %dma_wait3A_51, %dma_wait3A_52] : memref<1024x1x1024xf32, #tpu.memory_space<vmem_shared>> -> memref<1024x1x1024xf32, #tpu.memory_space<vmem_shared>>
        tpu.wait_indirect_dma semaphore(%run_scoped3A : memref<!tpu.dma_semaphore, #tpu.memory_space<semaphore_mem>>) src(%arg7 : memref<32x1x1024xf32, #tpu.memory_space<vmem>>) dst(%dma_wait3A_53 : memref<1024x1x1024xf32, #tpu.memory_space<vmem_shared>>)
        tpu.yield
      }) : () -> ()
    }
    %scan3A_23 = arith.constant 32 : i32
    %barrier3A_24 = arith.constant 0 : index
    tpu.barrier barrier_id(%barrier3A_24)
    %eq3A_25 = arith.constant 0 : i32
    %eq3A_26 = arith.cmpi eq, %arg1, %eq3A_25 : i32
    %convert_element_type3A_27 = arith.extui %eq3A_26 : i1 to i32
    %cond3A_28 = arith.constant 0 : i32
    %cond3A_29 = arith.cmpi ne, %convert_element_type3A_27, %cond3A_28 : i32
    scf.if %cond3A_29 {
      "tpu.region"() ({
        %run_scoped3A = tpu.sem_alloc : memref<!tpu.dma_semaphore, #tpu.memory_space<semaphore_mem>>
        %dma_start3A = arith.constant 0 : i32
        %dma_start3A_30 = arith.constant 0 : i32
        %dma_start3A_31 = tpu.memref_slice %arg5[%dma_start3A, %arg0, %dma_start3A_30] : memref<1024x2x1024xf32, #tpu.memory_space<hbm>> -> memref<1024x1x1024xf32, #tpu.memory_space<hbm>>
        tpu.enqueue_dma source(%arg8 : memref<1024x1x1024xf32, #tpu.memory_space<vmem_shared>>) target(%dma_start3A_31 : memref<1024x1x1024xf32, #tpu.memory_space<hbm>>) target_semaphore(%run_scoped3A : memref<!tpu.dma_semaphore, #tpu.memory_space<semaphore_mem>>)
        %dma_wait3A = arith.constant 0 : i32
        %dma_wait3A_32 = arith.constant 0 : i32
        %dma_wait3A_33 = tpu.memref_slice %arg5[%dma_wait3A, %arg0, %dma_wait3A_32] : memref<1024x2x1024xf32, #tpu.memory_space<hbm>> -> memref<1024x1x1024xf32, #tpu.memory_space<hbm>>
        tpu.wait_dma2 semaphore(%run_scoped3A : memref<!tpu.dma_semaphore, #tpu.memory_space<semaphore_mem>>) src(%arg8 : memref<1024x1x1024xf32, #tpu.memory_space<vmem_shared>>) dst(%dma_wait3A_33 : memref<1024x1x1024xf32, #tpu.memory_space<hbm>>)
        tpu.yield
      }) : () -> ()
    } else {
    }
    return
  }
}

module attributes {stable_mosaic.version = 14 : i64} {
  func.func @_loss_body(%arg0: memref<1024x2048xf32, #tpu.memory_space<vmem>>, %arg1: memref<1024x1024xf32, #tpu.memory_space<vmem>>, %arg2: memref<1x1xf32, #tpu.memory_space<vmem>>, %arg3: memref<1024x1024xi32, #tpu.memory_space<vmem>>) attributes {dimension_semantics = [], scalar_prefetch = 0 : i64, scratch_operands = 1 : i64, tpu.core_type = #tpu.core_type<tc>} {
    %get3A = arith.constant 0 : index
    %get3A_0 = arith.constant 0 : index
    %get3A_1 = vector.load %arg0[%get3A, %get3A_0] : memref<1024x2048xf32, #tpu.memory_space<vmem>>, vector<1024x2048xf32>
    %mul3A = arith.mulf %get3A_1, %get3A_1 : vector<1024x2048xf32>
    %reduce_sum3A = arith.constant dense<0.000000e+00> : vector<1024xf32>
    %reduce_sum3A_2 = vector.multi_reduction <add>, %mul3A, %reduce_sum3A [1] : vector<1024x2048xf32> to vector<1024xf32>
    %broadcast_in_dim3A = vector.shape_cast %reduce_sum3A_2 : vector<1024xf32> to vector<1024x1xf32>
    %gt3A = arith.constant 0.000000e+00 : f32
    %gt3A_3 = vector.broadcast %gt3A : f32 to vector<1024x1xf32>
    %gt3A_4 = arith.cmpf ogt, %broadcast_in_dim3A, %gt3A_3 : vector<1024x1xf32>
    %max3A = arith.constant 1.000000e-30 : f32
    %max3A_5 = vector.broadcast %max3A : f32 to vector<1024x1xf32>
    %max3A_6 = arith.maximumf %broadcast_in_dim3A, %max3A_5 : vector<1024x1xf32>
    %rsqrt3A = math.rsqrt %max3A_6 : vector<1024x1xf32>
    %jit3A = arith.constant 0.000000e+00 : f32
    %broadcast_in_dim3A_7 = vector.broadcast %jit3A : f32 to vector<1024x1xf32>
    %select_n3A = arith.select %gt3A_4, %rsqrt3A, %broadcast_in_dim3A_7 : vector<1024x1xi1>, vector<1024x1xf32>
    %mul3A_8 = vector.broadcast %select_n3A : vector<1024x1xf32> to vector<1024x2048xf32>
    %mul3A_9 = arith.mulf %get3A_1, %mul3A_8 : vector<1024x2048xf32>
    %convert_element_type3A = arith.truncf %mul3A_9 : vector<1024x2048xf32> to vector<1024x2048xbf16>
    %dot_general3A = arith.constant dense<0.000000e+00> : vector<1024x1024xf32>
    %dot_general3A_10 = tpu.matmul %convert_element_type3A, %convert_element_type3A, %dot_general3A {dimension_numbers = #tpu.dot_dimension_numbers<[1], [1], [0], [0], [0, 0, 1, 0], [], []>, transpose_lhs_hint = false} : vector<1024x2048xbf16>, vector<1024x2048xbf16>, vector<1024x1024xf32> -> vector<1024x1024xf32>
    %iota3A = tpu.iota {dimensions = array<i32: 0>} : vector<1024x1024xi32>
    %iota3A_11 = tpu.iota {dimensions = array<i32: 1>} : vector<1024x1024xi32>
    %eq3A = arith.cmpi eq, %iota3A, %iota3A_11 : vector<1024x1024xi32>
    %jit3A_12 = arith.constant 0.000000e+00 : f32
    %broadcast_in_dim3A_13 = vector.broadcast %jit3A_12 : f32 to vector<1024x1024xf32>
    %select_n3A_14 = arith.select %eq3A, %dot_general3A_10, %broadcast_in_dim3A_13 : vector<1024x1024xi1>, vector<1024x1024xf32>
    %reduce_sum3A_15 = arith.constant dense<0.000000e+00> : vector<1024xf32>
    %reduce_sum3A_16 = vector.multi_reduction <add>, %select_n3A_14, %reduce_sum3A_15 [1] : vector<1024x1024xf32> to vector<1024xf32>
    %broadcast_in_dim3A_17 = vector.shape_cast %reduce_sum3A_16 : vector<1024xf32> to vector<1024x1xf32>
    %reduce_sum3A_18 = arith.constant dense<0.000000e+00> : vector<1024xf32>
    %reduce_sum3A_19 = vector.multi_reduction <add>, %select_n3A_14, %reduce_sum3A_18 [0] : vector<1024x1024xf32> to vector<1024xf32>
    %broadcast_in_dim3A_20 = vector.shape_cast %reduce_sum3A_19 : vector<1024xf32> to vector<1x1024xf32>
    %add3A = vector.broadcast %broadcast_in_dim3A_17 : vector<1024x1xf32> to vector<1024x1024xf32>
    %add3A_21 = vector.broadcast %broadcast_in_dim3A_20 : vector<1x1024xf32> to vector<1024x1024xf32>
    %add3A_22 = arith.addf %add3A, %add3A_21 : vector<1024x1024xf32>
    %mul3A_23 = arith.constant 2.000000e+00 : f32
    %mul3A_24 = vector.broadcast %mul3A_23 : f32 to vector<1024x1024xf32>
    %mul3A_25 = arith.mulf %mul3A_24, %dot_general3A_10 : vector<1024x1024xf32>
    %sub3A = arith.subf %add3A_22, %mul3A_25 : vector<1024x1024xf32>
    %gt3A_26 = arith.constant 5.000000e-01 : f32
    %gt3A_27 = vector.broadcast %gt3A_26 : f32 to vector<1024x1xf32>
    %gt3A_28 = arith.cmpf ogt, %broadcast_in_dim3A_17, %gt3A_27 : vector<1024x1xf32>
    %convert_element_type3A_29 = arith.extui %gt3A_28 : vector<1024x1xi1> to vector<1024x1xi32>
    %convert_element_type3A_30 = arith.sitofp %convert_element_type3A_29 : vector<1024x1xi32> to vector<1024x1xf32>
    %gt3A_31 = arith.constant 5.000000e-01 : f32
    %gt3A_32 = vector.broadcast %gt3A_31 : f32 to vector<1x1024xf32>
    %gt3A_33 = arith.cmpf ogt, %broadcast_in_dim3A_20, %gt3A_32 : vector<1x1024xf32>
    %convert_element_type3A_34 = arith.extui %gt3A_33 : vector<1x1024xi1> to vector<1x1024xi32>
    %convert_element_type3A_35 = arith.sitofp %convert_element_type3A_34 : vector<1x1024xi32> to vector<1x1024xf32>
    %reduce_sum3A_36 = vector.shape_cast %convert_element_type3A_30 : vector<1024x1xf32> to vector<1x1024x1xf32>
    %reduce_sum3A_37 = arith.constant dense<0.000000e+00> : vector<1xf32>
    %reduce_sum3A_38 = vector.multi_reduction <add>, %reduce_sum3A_36, %reduce_sum3A_37 [1, 2] : vector<1x1024x1xf32> to vector<1xf32>
    %reduce_sum3A_39 = vector.shape_cast %reduce_sum3A_38 : vector<1xf32> to vector<1x1x1xf32>
    %reduce_sum3A_40 = vector.extract %reduce_sum3A_39[0, 0, 0] : f32 from vector<1x1x1xf32>
    %mul3A_41 = vector.broadcast %convert_element_type3A_30 : vector<1024x1xf32> to vector<1024x1024xf32>
    %mul3A_42 = vector.broadcast %convert_element_type3A_35 : vector<1x1024xf32> to vector<1024x1024xf32>
    %mul3A_43 = arith.mulf %mul3A_41, %mul3A_42 : vector<1024x1024xf32>
    %get3A_44 = arith.constant 0 : index
    %get3A_45 = arith.constant 0 : index
    %get3A_46 = vector.load %arg1[%get3A_44, %get3A_45] : memref<1024x1024xf32, #tpu.memory_space<vmem>>, vector<1024x1024xf32>
    %transpose3A = tpu.transpose %get3A_46, [1, 0] : vector<1024x1024xf32> -> vector<1024x1024xf32>
    %add3A_47 = arith.addf %get3A_46, %transpose3A : vector<1024x1024xf32>
    %mul3A_48 = arith.constant 5.000000e-01 : f32
    %mul3A_49 = vector.broadcast %mul3A_48 : f32 to vector<1024x1024xf32>
    %mul3A_50 = arith.mulf %mul3A_49, %add3A_47 : vector<1024x1024xf32>
    %jit3A_51 = arith.constant 0.000000e+00 : f32
    %broadcast_in_dim3A_52 = vector.broadcast %jit3A_51 : f32 to vector<1024x1024xf32>
    %select_n3A_53 = arith.select %eq3A, %broadcast_in_dim3A_52, %mul3A_50 : vector<1024x1024xi1>, vector<1024x1024xf32>
    %gt3A_54 = arith.cmpi sgt, %iota3A, %iota3A_11 : vector<1024x1024xi32>
    %convert_element_type3A_55 = arith.extui %gt3A_54 : vector<1024x1024xi1> to vector<1024x1024xi32>
    %convert_element_type3A_56 = arith.sitofp %convert_element_type3A_55 : vector<1024x1024xi32> to vector<1024x1024xf32>
    %mul3A_57 = arith.mulf %mul3A_43, %convert_element_type3A_56 : vector<1024x1024xf32>
    %mul3A_58 = arith.mulf %mul3A_57, %select_n3A_53 : vector<1024x1024xf32>
    %mul3A_59 = arith.constant -1.000000e+01 : f32
    %mul3A_60 = vector.broadcast %mul3A_59 : f32 to vector<1024x1024xf32>
    %mul3A_61 = arith.mulf %mul3A_60, %sub3A : vector<1024x1024xf32>
    %exp3A = math.exp %mul3A_61 : vector<1024x1024xf32>
    %mul3A_62 = arith.mulf %mul3A_58, %exp3A : vector<1024x1024xf32>
    %reduce_sum3A_63 = vector.shape_cast %mul3A_62 : vector<1024x1024xf32> to vector<1x1024x1024xf32>
    %reduce_sum3A_64 = arith.constant dense<0.000000e+00> : vector<1xf32>
    %reduce_sum3A_65 = vector.multi_reduction <add>, %reduce_sum3A_63, %reduce_sum3A_64 [1, 2] : vector<1x1024x1024xf32> to vector<1xf32>
    %reduce_sum3A_66 = vector.shape_cast %reduce_sum3A_65 : vector<1xf32> to vector<1x1x1xf32>
    %reduce_sum3A_67 = vector.extract %reduce_sum3A_66[0, 0, 0] : f32 from vector<1x1x1xf32>
    %gt3A_68 = arith.constant 5.000000e-01 : f32
    %gt3A_69 = vector.broadcast %gt3A_68 : f32 to vector<1024x1024xf32>
    %gt3A_70 = arith.cmpf ogt, %mul3A_43, %gt3A_69 : vector<1024x1024xf32>
    %jit3A_71 = arith.constant -1.000000e+00 : f32
    %broadcast_in_dim3A_72 = vector.broadcast %jit3A_71 : f32 to vector<1024x1024xf32>
    %select_n3A_73 = arith.select %gt3A_70, %select_n3A_53, %broadcast_in_dim3A_72 : vector<1024x1024xi1>, vector<1024x1024xf32>
    %max3A_74 = arith.constant 0.000000e+00 : f32
    %max3A_75 = vector.broadcast %max3A_74 : f32 to vector<1024x1024xf32>
    %max3A_76 = arith.maximumf %select_n3A_73, %max3A_75 : vector<1024x1024xf32>
    %mul3A_77 = arith.constant 0x4B800000 : f32
    %mul3A_78 = vector.broadcast %mul3A_77 : f32 to vector<1024x1024xf32>
    %mul3A_79 = arith.mulf %max3A_76, %mul3A_78 : vector<1024x1024xf32>
    %round3A = math.roundeven %mul3A_79 : vector<1024x1024xf32>
    %convert_element_type3A_80 = arith.fptosi %round3A : vector<1024x1024xf32> to vector<1024x1024xi32>
    %lt3A = arith.constant 0.000000e+00 : f32
    %lt3A_81 = vector.broadcast %lt3A : f32 to vector<1024x1024xf32>
    %lt3A_82 = arith.cmpf olt, %select_n3A_73, %lt3A_81 : vector<1024x1024xf32>
    %jit3A_83 = arith.constant -1 : i32
    %broadcast_in_dim3A_84 = vector.broadcast %jit3A_83 : i32 to vector<1024x1024xi32>
    %select_n3A_85 = arith.select %lt3A_82, %broadcast_in_dim3A_84, %convert_element_type3A_80 : vector<1024x1024xi1>, vector<1024x1024xi32>
    %mul3A_86 = arith.constant 1024 : i32
    %mul3A_87 = vector.broadcast %mul3A_86 : i32 to vector<1024x1024xi32>
    %mul3A_88 = arith.muli %select_n3A_85, %mul3A_87 : vector<1024x1024xi32>
    %sub3A_89 = arith.constant 1023 : i32
    %sub3A_90 = vector.broadcast %sub3A_89 : i32 to vector<1024x1024xi32>
    %sub3A_91 = arith.subi %sub3A_90, %iota3A : vector<1024x1024xi32>
    %add3A_92 = arith.addi %mul3A_88, %sub3A_91 : vector<1024x1024xi32>
    %swap3A = arith.constant 0 : index
    %swap3A_93 = arith.constant 0 : index
    %swap3A_94 = vector.load %arg3[%swap3A, %swap3A_93] : memref<1024x1024xi32, #tpu.memory_space<vmem>>, vector<1024x1024xi32>
    tpu.vector_store %arg3[%swap3A, %swap3A_93], %add3A_92 {strides = array<i32>} : memref<1024x1024xi32, #tpu.memory_space<vmem>>, vector<1024x1024xi32>,
    %scan3A = arith.constant -2147483647 : i32
    %scan3A_95 = arith.constant 0 : i32
    %scan3A_96 = arith.constant 20 : i32
    %scan3A_97 = arith.addi %scan3A_95, %scan3A_96 : i32
    %scan3A_98 = arith.constant 1 : i32
    scf.for %scan3A_139 = %scan3A_95 to %scan3A_97 step %scan3A_98  : i32 {
      %get3A_140 = arith.constant 0 : index
      %get3A_141 = arith.constant 0 : index
      %get3A_142 = vector.load %arg3[%get3A_140, %get3A_141] : memref<1024x1024xi32, #tpu.memory_space<vmem>>, vector<1024x1024xi32>
      %reduce_max3A = arith.constant dense<-2147483648> : vector<1024xi32>
      %reduce_max3A_143 = vector.multi_reduction <maxsi>, %get3A_142, %reduce_max3A [0] : vector<1024x1024xi32> to vector<1024xi32>
      %broadcast_in_dim3A_144 = vector.shape_cast %reduce_max3A_143 : vector<1024xi32> to vector<1x1024xi32>
      %eq3A_145 = vector.broadcast %broadcast_in_dim3A_144 : vector<1x1024xi32> to vector<1024x1024xi32>
      %eq3A_146 = arith.cmpi eq, %get3A_142, %eq3A_145 : vector<1024x1024xi32>
      %broadcast_in_dim3A_147 = vector.broadcast %scan3A : i32 to vector<1024x1024xi32>
      %select_n3A_148 = arith.select %eq3A_146, %broadcast_in_dim3A_147, %get3A_142 : vector<1024x1024xi1>, vector<1024x1024xi32>
      %swap3A_149 = arith.constant 0 : index
      %swap3A_150 = arith.constant 0 : index
      %swap3A_151 = vector.load %arg3[%swap3A_149, %swap3A_150] : memref<1024x1024xi32, #tpu.memory_space<vmem>>, vector<1024x1024xi32>
      tpu.vector_store %arg3[%swap3A_149, %swap3A_150], %select_n3A_148 {strides = array<i32>} : memref<1024x1024xi32, #tpu.memory_space<vmem>>, vector<1024x1024xi32>,
    }
    %get3A_99 = arith.constant 0 : index
    %get3A_100 = arith.constant 0 : index
    %get3A_101 = vector.load %arg3[%get3A_99, %get3A_100] : memref<1024x1024xi32, #tpu.memory_space<vmem>>, vector<1024x1024xi32>
    %eq3A_102 = arith.constant -2147483647 : i32
    %eq3A_103 = vector.broadcast %eq3A_102 : i32 to vector<1024x1024xi32>
    %eq3A_104 = arith.cmpi eq, %get3A_101, %eq3A_103 : vector<1024x1024xi32>
    %convert_element_type3A_105 = arith.extui %eq3A_104 : vector<1024x1024xi1> to vector<1024x1024xi32>
    %convert_element_type3A_106 = arith.sitofp %convert_element_type3A_105 : vector<1024x1024xi32> to vector<1024x1024xf32>
    %mul3A_107 = arith.mulf %convert_element_type3A_106, %mul3A_62 : vector<1024x1024xf32>
    %reduce_sum3A_108 = vector.shape_cast %mul3A_107 : vector<1024x1024xf32> to vector<1x1024x1024xf32>
    %reduce_sum3A_109 = arith.constant dense<0.000000e+00> : vector<1xf32>
    %reduce_sum3A_110 = vector.multi_reduction <add>, %reduce_sum3A_108, %reduce_sum3A_109 [1, 2] : vector<1x1024x1024xf32> to vector<1xf32>
    %reduce_sum3A_111 = vector.shape_cast %reduce_sum3A_110 : vector<1xf32> to vector<1x1x1xf32>
    %reduce_sum3A_112 = vector.extract %reduce_sum3A_111[0, 0, 0] : f32 from vector<1x1x1xf32>
    %mul3A_113 = arith.mulf %convert_element_type3A_106, %mul3A_57 : vector<1024x1024xf32>
    %reduce_sum3A_114 = vector.shape_cast %mul3A_113 : vector<1024x1024xf32> to vector<1x1024x1024xf32>
    %reduce_sum3A_115 = arith.constant dense<0.000000e+00> : vector<1xf32>
    %reduce_sum3A_116 = vector.multi_reduction <add>, %reduce_sum3A_114, %reduce_sum3A_115 [1, 2] : vector<1x1024x1024xf32> to vector<1xf32>
    %reduce_sum3A_117 = vector.shape_cast %reduce_sum3A_116 : vector<1xf32> to vector<1x1x1xf32>
    %reduce_sum3A_118 = vector.extract %reduce_sum3A_117[0, 0, 0] : f32 from vector<1x1x1xf32>
    %sub3A_119 = arith.constant 1.000000e+00 : f32
    %sub3A_120 = arith.subf %reduce_sum3A_40, %sub3A_119 : f32
    %mul3A_121 = arith.mulf %reduce_sum3A_40, %sub3A_120 : f32
    %mul3A_122 = arith.constant 5.000000e-01 : f32
    %mul3A_123 = arith.mulf %mul3A_121, %mul3A_122 : f32
    %max3A_124 = arith.constant 1.000000e+00 : f32
    %max3A_125 = arith.maximumf %mul3A_123, %max3A_124 : f32
    %div3A = arith.divf %reduce_sum3A_67, %max3A_125 : f32
    %max3A_126 = arith.constant 1.000000e+00 : f32
    %max3A_127 = arith.maximumf %reduce_sum3A_118, %max3A_126 : f32
    %div3A_128 = arith.divf %reduce_sum3A_112, %max3A_127 : f32
    %lt3A_129 = arith.constant 1.500000e+00 : f32
    %lt3A_130 = arith.cmpf olt, %reduce_sum3A_40, %lt3A_129 : f32
    %le3A = arith.constant 2.150000e+01 : f32
    %le3A_131 = arith.cmpf ole, %reduce_sum3A_40, %le3A : f32
    %select_n3A_132 = arith.select %le3A_131, %div3A, %div3A_128 : f32
    %jit3A_133 = arith.constant 0.000000e+00 : f32
    %select_n3A_134 = arith.select %lt3A_130, %jit3A_133, %select_n3A_132 : f32
    %broadcast_in_dim3A_135 = vector.broadcast %select_n3A_134 : f32 to vector<1x1xf32>
    %swap3A_136 = arith.constant 0 : index
    %swap3A_137 = arith.constant 0 : index
    %swap3A_138 = vector.load %arg2[%swap3A_136, %swap3A_137] : memref<1x1xf32, #tpu.memory_space<vmem>>, vector<1x1xf32>
    tpu.vector_store %arg2[%swap3A_136, %swap3A_137], %broadcast_in_dim3A_135 {strides = array<i32>} : memref<1x1xf32, #tpu.memory_space<vmem>>, vector<1x1xf32>,
    return
  }
}

</mosaic_0001>

<sc_bundles>
// kernel: kernel.4.cloned.1.call-start
scs
__scs_entry_jumppad:
0x0: {  	(pc) =	sbr.rel $0x88, $3  }
0x1: {  	(tag) =	ssettag $0x0;
	lr =	simm.s32 $0x1  }
0x2: {  	[smem:$0x3F9E] =	sst lr;
	_ =	strace $0xD0000000  }
0x3: {  	_ = 	snop  }
0x4: {  	_ = 	snop  }
0x5: {  	_ = 	snop  }
0x6: {  	_ = 	snop  }
0x7: {  	_ = 	snop  }
__scs_overlays_trampoline_lowered:
0x8: {  	[smem:$0x3FAD] =	sst s0  }
0x9: {  	[smem:$0x3FAE] =	sst s1  }
0xa: {  	[smem:$0x3FAF] =	sst s2  }
0xb: {  	[smem:$0x3FB0] =	sst s3  }
0xc: {  	[smem:$0x3FB1] =	sst s4  }
0xd: {  	[smem:$0x3FB2] =	sst s5  }
0xe: {  	[smem:$0x3FB3] =	sst s6  }
0xf: {  	[smem:$0x3FB4] =	sst s7  }
0x10: {  	[smem:$0x3FB5] =	sst s8  }
0x11: {  	[smem:$0x3FB6] =	sst s9;
	s0 =	simm.s32 @!p0 $0x0  }
0x12: {  	s1 =	sld [smem:$0x3F9C];
	s0 =	simm.s32 @p0 $0x1  }
0x13: {  	[smem:$0x3FB7] =	sst s0;
	s0 =	simm.s32 @!p1 $0x0  }
0x14: {  	s2 =	sld [smem:$0x3F9B];
	s0 =	simm.s32 @p1 $0x1  }
0x15: {  	[smem:$0x3FB8] =	sst s0;
	s0 =	simm.s32 @!p2 $0x0  }
0x16: {  	s3 =	sld [smem:$0x3FDB];
	s0 =	simm.s32 @p2 $0x1  }
0x17: {  	s4 =	simm.s32 $0x1BF5;
	[smem:$0x3FBA] =	sst s0  }
0x18: {  	s0 =	sld [smem:$0x3F9D];
	_ =	swait.ge [sflag:s4], $0x0  }
0x19: {  	s7 =	sld [smem:$0x3F9E]  }
0x1a: {  	s8 =	sadd.s32 $0xFFFFE003, lr  }
0x1b: {  	s9 =	sadd.s32 $0xFFFFFEF7, lr;
	s5 =	simm.s32 $0xFFFFFFFF;
	p2 =	slt.u32 s8, $0xFFFFF086  }
0x1c: {  	p1 =	slt.u32 s9, $0xF7A;
	s5 =	simm.s32 @!p2 $0x0  }
0x1d: {  	s5 =	simm.s32 @p1 $0x1;
	p0 =	seq.s32 s7, s2  }
0x1e: {  	s7 =	smul.u32 @!p0 $0xF7A, s2;
	p2 =	seq.s32 @!p0 s5, $0x0  }
0x1f: {  	s9 =	smul.u32 $0xF7A, s1;
	s8 =	simm.s32 @!p0 $0x1BF5;
	p2 =	por !p2, p0  }
0x20: {  	[sflag:s8] =	ssyncset.s32 @!p0 $0xFFFFF086;
	s6 =	sadd.s32 @!p0 s3, s7;
	s7 =	simm.s32 @!p0 $0x108  }
0x21: {  	s3 =	sadd.s32 s3, s9;
	s6 =	sadd.s32 @!p0 $0x88, s6;
	s7 =	simm.s32 @p2 $0x1082  }
0x22: {  	[simem:s7], [sflag:s8] =	dma.local @!p0 [hbm:s6], $0xF7A  }
0x23: {  	s9 =	sor.u32 $0xD0000000, s2;
	s6 =	simm.s32 $0x108;
	_ =	swait.ge @!p0 [sflag:s8], $0x0  }
0x24: {  	s3 =	sadd.s32 $0x88, s3;
	s6 =	simm.s32 @!p1 $0x1082;
	[sflag:s4] =	ssyncset.s32 $0xFFFFF086  }
0x25: {  	[simem:s6], [sflag:s4] =	dma.local [hbm:s3], $0xF7A  }
0x26: {  	[smem:$0x3F9E] =	sst s1;
	(tag) =	ssettag s2;
	_ =	strace s9  }
0x27: {  	s1 =	sld [smem:$0x3FAE]  }
0x28: {  	s2 =	sld [smem:$0x3FAF]  }
0x29: {  	s4 =	sld [smem:$0x3FB1]  }
0x2a: {  	p0 =	seq.s32 s5, $0x0;
	s5 =	sld [smem:$0x3FB2]  }
0x2b: {  	s6 =	sld [smem:$0x3FB3]  }
0x2c: {  	s7 =	sld [smem:$0x3FB4]  }
0x2d: {  	s3 =	simm.s32 $0x108;
	s8 =	sld [smem:$0x3FB5]  }
0x2e: {  	s3 =	simm.s32 @!p0 $0x1082;
	s9 =	sld [smem:$0x3FB6]  }
0x2f: {  	lr =	sadd.s32 s0, s3;
	s0 =	sld [smem:$0x3FAD]  }
0x30: {  	s3 =	sld [smem:$0x3FB0]  }
0x31: {  	[smem:$0x3FB9] =	sst s10  }
0x32: {  	s10 =	sld [smem:$0x3FB7];
	_ =	sdelay $0x3  }
0x33: {  	p0 =	seq.s32 s10, $0x1;
	s10 =	sld [smem:$0x3FB9];
	_ =	sdelay $0x3  }
0x34: {  	[smem:$0x3FB9] =	sst s10  }
0x35: {  	s10 =	sld [smem:$0x3FB8];
	_ =	sdelay $0x3  }
0x36: {  	p1 =	seq.s32 s10, $0x1;
	s10 =	sld [smem:$0x3FB9];
	_ =	sdelay $0x3  }
0x37: {  	[smem:$0x3FB9] =	sst s10  }
0x38: {  	s10 =	sld [smem:$0x3FBA]  }
0x39: {  	_ = 	snop;
	(pc) =	sbr.ind lr, $3  }
0x3a: {  	_ = 	snop  }
0x3b: {  	_ = 	snop  }
0x3c: {  	p2 =	seq.s32 s10, $0x1;
	s10 =	sld [smem:$0x3FB9]  }
0x3d: {  	_ =	shalt  }
0x3e: {  	_ =	shalt  }
0x3f: {  	_ =	shalt  }
0x40: {  	_ =	shalt  }
0x41: {  	_ =	shalt  }
0x42: {  	_ =	shalt  }
0x43: {  	_ =	shalt  }
0x44: {  	_ =	shalt  }
0x45: {  	_ =	shalt  }
0x46: {  	_ =	shalt  }
0x47: {  	_ =	shalt  }
0x48: {  	_ =	shalt  }
0x49: {  	_ =	shalt  }
0x4a: {  	_ =	shalt  }
0x4b: {  	_ =	shalt  }
0x4c: {  	_ =	shalt  }
0x4d: {  	_ =	shalt  }
0x4e: {  	_ =	shalt  }
0x4f: {  	_ =	shalt  }
0x50: {  	_ =	shalt  }
0x51: {  	_ =	shalt  }
0x52: {  	_ =	shalt  }
0x53: {  	_ =	shalt  }
0x54: {  	_ =	shalt  }
0x55: {  	_ =	shalt  }
0x56: {  	_ =	shalt  }
0x57: {  	_ =	shalt  }
0x58: {  	_ =	shalt  }
0x59: {  	_ =	shalt  }
0x5a: {  	_ =	shalt  }
0x5b: {  	_ =	shalt  }
0x5c: {  	_ =	shalt  }
0x5d: {  	_ =	shalt  }
0x5e: {  	_ =	shalt  }
0x5f: {  	_ =	shalt  }
0x60: {  	_ =	shalt  }
0x61: {  	_ =	shalt  }
0x62: {  	_ =	shalt  }
0x63: {  	_ =	shalt  }
0x64: {  	_ =	shalt  }
0x65: {  	_ =	shalt  }
0x66: {  	_ =	shalt  }
0x67: {  	_ =	shalt  }
0x68: {  	_ =	shalt  }
0x69: {  	_ =	shalt  }
0x6a: {  	_ =	shalt  }
0x6b: {  	_ =	shalt  }
0x6c: {  	_ =	shalt  }
0x6d: {  	_ =	shalt  }
0x6e: {  	_ =	shalt  }
0x6f: {  	_ =	shalt  }
0x70: {  	_ =	shalt  }
0x71: {  	_ =	shalt  }
0x72: {  	_ =	shalt  }
0x73: {  	_ =	shalt  }
0x74: {  	_ =	shalt  }
0x75: {  	_ =	shalt  }
0x76: {  	_ =	shalt  }
0x77: {  	_ =	shalt  }
0x78: {  	_ =	shalt  }
0x79: {  	_ =	shalt  }
0x7a: {  	_ =	shalt  }
0x7b: {  	_ =	shalt  }
0x7c: {  	_ =	shalt  }
0x7d: {  	_ =	shalt  }
0x7e: {  	_ =	shalt  }
0x7f: {  	_ =	shalt  }
0x80: {  	_ =	shalt  }
0x81: {  	_ =	shalt  }
0x82: {  	_ =	shalt  }
0x83: {  	_ =	shalt  }
0x84: {  	_ =	shalt  }
0x85: {  	_ =	shalt  }
0x86: {  	_ =	shalt  }
0x87: {  	_ =	shalt  }
.Lfunc_end0:
.L_simem_size_0:
called_computation_lowered:
.L_overlay_start_0:
0x88: {  	s2 =	sld [smem:$0x3FD9]  }
0x89: {  	s3 =	sld [smem:$0x3FFE];
	_ =	sdelay $0x1  }
0x8a: {  	s1 =	srdreg.scid  }
0x8b: {  	s0 =	sand.u32 $0x1, s1  }
0x8c: {  	s16 =	sshll.u32 s0, $0xA;
	s2 =	sadd.s32 s3, s2  }
0x8d: {  	s2 =	sadd.s32 s2, s16  }
0x8e: {  	[smem:$0x3FC5] =	sst s2  }
0x8f: {  	_ = 	snop  }
0x90: {  	(tm) =	ssettm $0x1  }
0x91: {  	s17 =	sld [smem:$0x3FFB];
	_ =	sdelay $0x3  }
0x92: {  	_ =	strace s17  }
0x93: {  	s2 =	sld [smem:$0x3FFC];
	_ =	sdelay $0x3  }
0x94: {  	_ =	strace s2  }
0x95: {  	s2 =	sld [smem:$0x3FFD];
	_ =	sdelay $0x3  }
0x96: {  	_ =	strace s2  }
0x97: {  	_ =	strace $0x8FFFFFFF  }
0x98: {  	s18 =	sld [smem:$0x3FDB];
	_ =	sdelay $0x1  }
0x99: {  	s19 =	simm.s32 $_scs_section_size  }
0x9a: {  	s4 =	simm.s32 $_size__tile_overlayer_lowered;
	s5 =	simm.s32 $_tile_overlayer_lowered  }
0x9b: {  	s22 =	simm.s32 $0x1BFF;
	s21 =	sshll.u32 s5, $0x1;
	s2 =	sadd.s32 s19, s18  }
0x9c: {  	s6 =	simm.s32 $0x0;
	s20 =	sshll.u32 s4, $0x1;
	s4 =	sadd.s32 s21, s2  }
0x9d: {  	[timem:s6], [sflag:s22] =	dma.local [hbm:s4], s20  }
0x9e: {  	_ =	swait.ge [sflag:s22], s20  }
0x9f: {  	s3 =	ssub.s32 $0x0, s20;
	[sflag:s22] =	ssyncset.done $0x0  }
0xa0: {  	[sflag:s22] =	ssyncadd.s32 s3;
	_ =	sdelay $0x1  }
0xa1: {  	s23 =	simm.s32 $0x1B8B  }
0xa2: {  	_ =	swait.ge [sflag:s23], $0x1  }
0xa3: {  	[sflag:s23] =	ssyncset.done $0x0  }
0xa4: {  	s25 =	simm.s32 $0x1B8E;
	s24 =	sld [smem:$0x3FFE];
	[sflag:s23] =	ssyncadd.s32 $0xFFFFFFFF  }
0xa5: {  	s26 =	simm.s32 $execute0_lowered;
	[smem:$0x3FD2] =	sst s25  }
0xa6: {  	s4 =	sshll.u32 s26, $0x1;
	_ =	strace $0x80000046;
	[dreg:$0x1] =	wrdreg $0xFFFFFFFF  }
0xa7: {  	s28 =	simm.s32 $_size_execute0_lowered;
	s2 =	sadd.s32 s2, s4;
	[dreg:$0x0] =	wrdreg $0x0  }
0xa8: {  	s4 =	sshll.u32 s28, $0x1;
	[dreg:$0x2] =	wrdreg s2  }
0xa9: {  	[dreg:$0x3] =	wrdreg s4  }
0xaa: {  	[dreg:$0x4] =	wrdreg $0xC0  }
0xab: {  	_ =	task [dreg:s6], $0x5FFFF  }
0xac: {  	[dreg:$0x1] =	wrdreg $0xFFFFFFFF  }
0xad: {  	[dreg:$0x0] =	wrdreg $0x60  }
0xae: {  	[dreg:$0x2] =	wrdreg s24  }
0xaf: {  	[dreg:$0x3] =	wrdreg $0x90000  }
0xb0: {  	[dreg:$0x4] =	wrdreg $0x9  }
0xb1: {  	_ =	task.clear_ibuf [dreg:s6], $0x5FFFF;
	_ =	strace $0x90000046  }
0xb2: {  	s29 =	simm.s32 $0x9;
	_ =	strace $0x80000048  }
0xb3: {  	_ =	swait.ge [sflag:s29], $0x1  }
0xb4: {  	[sflag:s29] =	ssyncadd.s32 $0xFFFFFFFF  }
0xb5: {  	_ =	strace $0x90000048  }
0xb6: {  	_ =	sfence  }
0xb7: {  	s30 =	sld [smem:$0x0];
	_ =	sdelay $0x2  }
0xb8: {  	s31 =	sshll.u32 s1, $0xD;
	s1 =	sshrl.u32 s1, $0x2  }
0xb9: {  	s3 =	sand.u32 $0x4000, s31;
	s1 =	sadd.s32 s1, s30  }
0xba: {  	s0 =	sor.u32 s3, s0;
	s1 =	sshll.u32 s1, $0x11  }
0xbb: {  	s0 =	sor.u32 s1, s0  }
0xbc: {  	s0 =	sadd.s32 $0x8F2B, s0  }
0xbd: {  	[sflag:s0] =	ssyncadd.remote.s32 $0x1  }
0xbe: {  	_ =	sfence.sel $0xFFFF  }
0xbf: {  	[dreg:$0x0] =	wrdreg $0xFFFFFFFF;
	(pc) =	sbr.abs _section_cstart, $3  }
0xc0: {  	[dreg:$0x1] =	wrdreg $0xFFFFFFFF  }
0xc1: {  	_ =	task.clear_ibuf [dreg:s6], $0x2FFFF;
	_ =	strace $0x9FFFFFFF  }
0xc2: {  	(tm) =	ssettm $0x7FFFFFFF  }
0xc3: {  	_ =	shalt  }
tec
execute0_lowered:
.L_overlay_start_1:
0x0: {  	(tag) =	ssettag $0x1  }
0x1: {  	s4 =	rddreg [dreg:$0x0]  }
0x2: {  	s1 =	rddreg [dreg:$0x1]  }
0x3: {  	s0 =	rddreg [dreg:$0x2];
	s2 =	simm.s32 $0x0;
	s7 =	stileid.u32  }
0x4: {  	s5 =	srdreg.scid;
	s11 =	simm.s32 $0x100;
	s12 =	simm.s32 $0x1000  }
0x5: {  	s13 =	simm.s32 $0x1;
	s14 =	simm.s32 $0x20;
	s15 =	simm.s32 $0x0  }
0x6: {  	[smem:$0x7FF] =	sst s2;
	s3 =	sshll.u32 s7, $0x9;
	s5 =	sand.u32 $0x1, s5  }
0x7: {  	s9 =	sshll.u32 s7, $0x12;
	p0 =	sne.s32 s7, $0x0;
	_ =	strace $0x80000047  }
0x8: {  	s6 =	sadd.s32 s3, s4;
	s8 =	sshll.u32 s5, $0x4;
	s5 =	ssub.s32 $0x2, s5  }
0x9: {  	s3 =	sadd.s32 $0x402800, s4;
	s8 =	sadd.s32 s8, s4;
	s31 =	sshrl.u32 s5, $0x1  }
0xa: {  	s4 =	sadd.s32 $0x400800, s6;
	s10 =	ssub.s32 s5, s31;
	s5 =	sadd.s32 $0x422800, s8  }
0xb: {  	s8 =	sadd.s32 s9, s8;
	s9 =	simm.s32 $0x2;
	s6 =	smax.u32 s10, $0x1  }
0xc: {  	s7 =	sadd.s32 $0x800, s8;
	s8 =	sshrl.u32 @!p0 s1, $0x3;
	s10 =	simm.s32 $0x80  }
.LBB2_1:
0xd: {  	s16 =	simm.s32 @!p0 $0x1C02  }
0xe: {  	[spmem:s8], [sflag:s16] =	dma.local @!p0 [hbm:s3], $0x20000  }
0xf: {  	s16 =	simm.s32 @!p0 $0x2  }
0x10: {  	_ =	swait.ge @!p0 [sflag:s16], $0x20000  }
0x11: {  	[sflag:s16] =	ssyncset.done @!p0 $0x0  }
0x12: {  	[sflag:s16] =	ssyncadd.s32 @!p0 $0xFFFE0000  }
0x13: {  	[bflag:$0x0] =	sbarrier.arrive $0xFFFF  }
0x14: {  	[tilespmem:s2], [sflag:$0x2] =	stream.linear.gather [hbm4b:s4+s2], $0x1000, $0x38;
	[tilespmem:$0x19000] =	vst v63  }
0x15: {  	_ =	swait.ge [sflag:s9], $0x1000  }
0x16: {  	[sflag:s9] =	ssyncset.done $0x0  }
0x17: {  	[sflag:s9] =	ssyncadd.s32 $0xFFFFF000  }
0x18: {  	[tilespmem:s12], [sflag:$0x1] =	stream.strided.gather [hbm4b:s7+s10], $0x8000, s11, s10, $0x38;
	[tilespmem:$0x19000] =	vst v63  }
0x19: {  	_ =	swait.ge [sflag:s13], $0x8000  }
0x1a: {  	[sflag:s13] =	ssyncset.done $0x0  }
0x1b: {  	s31 =	simm.s32 $0x0;
	[sflag:s13] =	ssyncadd.s32 $0xFFFF8000  }
0x1c: {  	[spmem:s1] =	stream.indirect.scatter.add.f32 [tilespmem:s12], [sflag:$0x2], $0x400, s31, s14, $0xb8;
	[tilespmem:$0x19000] =	vst v63  }
0x1d: {  	_ =	swait.ge [sflag:s9], $0x8000  }
0x1e: {  	s17 =	smov.u32 s7;
	s16 =	simm.s32 $0x200;
	[sflag:s9] =	ssyncset.done $0x0  }
.LBB2_2:
0x1f: {  	p1 =	sne.s32 s16, $0x3E00;
	[sflag:s9] =	ssyncadd.s32 $0xFFFF8000;
	s17 =	sadd.s32 $0x2000, s17  }
0x20: {  	[tilespmem:s12], [sflag:$0x1] =	stream.strided.gather [hbm4b:s17+s10], $0x8000, s11, s10, $0x38;
	[tilespmem:$0x19000] =	vst v63  }
0x21: {  	s18 =	smov.u32 s16;
	s16 =	sadd.s32 $0x200, s16;
	_ =	swait.ge [sflag:s13], $0x8000  }
.Ltmp0:
0x22: {  	[sflag:s13] =	ssyncset.done $0x0;
	(pc) =	sbr.rel @p1 .LBB2_2-.Ltmp0, $4  }
0x23: {  	s18 =	sshra.s32 s18, $0x2;
	[sflag:s13] =	ssyncadd.s32 $0xFFFF8000  }
0x24: {  	[spmem:s1] =	stream.indirect.scatter.add.f32 [tilespmem:s12], [sflag:$0x2], $0x400, s18, s14, $0xb8;
	[tilespmem:$0x19000] =	vst v63  }
0x25: {  	_ =	swait.ge [sflag:s9], $0x8000  }
0x26: {  	[sflag:s9] =	ssyncset.done $0x0  }
0x27: {  	[sflag:s9] =	ssyncadd.s32 $0xFFFF8000;
	s16 =	simm.s32 @!p0 $0x1  }
0x28: {  	s17 =	simm.s32 @!p0 $0x20;
	s18 =	simm.s32 @!p0 $0x10;
	s15 =	sadd.s32 $0x1, s15  }
0x29: {  	s19 =	simm.s32 @!p0 $0x1C02;
	[bflag:$0x0] =	sbarrier.arrive $0xFFFF;
	p1 =	sne.s32 s15, s6  }
0x2a: {  	[hbm:s5@s17], [sflag:s19] =	dma.strided @!p0 [spmem:s8@s18], $0x20000, s16, $0x10   }
.Ltmp1:
0x2b: {  	_ = 	snop;
	(pc) =	sbr.rel @p1 .LBB2_1-.Ltmp1, $4  }
0x2c: {  	s16 =	simm.s32 @!p0 $0x2  }
0x2d: {  	_ =	swait.ge @!p0 [sflag:s16], $0x20000  }
0x2e: {  	[sflag:s16] =	ssyncset.done @!p0 $0x0  }
0x2f: {  	[sflag:s16] =	ssyncadd.s32 @!p0 $0xFFFE0000  }
0x30: {  	_ =	sfence.sel $0x180000  }
0x31: {  	[bflag:$0x0] =	sbarrier.arrive $0xFFFF  }
0x32: {  	_ =	strace $0x90000047  }
0x33: {  	s0 =	sadd.s32 @!p0 $0x100000, s0;
	[bflag:$0x2] =	sbarrier.arrive $0xFFFF  }
0x34: {  	[sflag:s0] =	ssyncadd.tile.s32 @!p0 $0x1;
	_ =	shalt  }
.Lfunc_end2:
_tile_overlayer_lowered:
.L_overlay_start_2:
0x35: {  	(tag) =	ssettag $0x2  }
0x36: {  	s0 =	rddreg [dreg:$0x0];
	s2 =	stileid.u32  }
0x37: {  	s1 =	rddreg [dreg:$0x1];
	p0 =	sne.s32 s2, $0x0  }
0x38: {  	s3 =	rddreg [dreg:$0x2];
	[bflag:$0x3] =	sbarrier.arrive $0xFFFF;
	s2 =	simm.s32 @!p0 $0x1C02  }
0x39: {  	[timem:s3], [sflag:s2] =	dma.local @!p0 [hbm:s0], s1  }
0x3a: {  	s0 =	simm.s32 @!p0 $0x2  }
0x3b: {  	_ =	swait.ge @!p0 [sflag:s0], s1  }
0x3c: {  	s1 =	ssub.s32 @!p0 $0x0, s1;
	[sflag:s0] =	ssyncset.done @!p0 $0x0  }
0x3d: {  	[sflag:s0] =	ssyncadd.s32 @!p0 s1  }
0x3e: {  	[bflag:$0x3] =	sbarrier.arrive $0xFFFF  }
0x3f: {  	_ =	shalt  }

</sc_bundles>
